<compile_context>
chip_gen: v7x
topology: tpu7x:2x2x1
jax: 0.10.2.dev20260603
libtpu: 0.0.44.dev20260713+nightly
codegen_flags: <defaults>
</compile_context>

<pallas_src>
import functools

import jax
import jax.numpy as jnp
from jax import lax
from jax.experimental import pallas as pl
from jax.experimental.pallas import tpu as pltpu, tpu_sc as plsc

_LANES = 16
_WROWS = 32
_BR = 2048
_LC = 128
_SPLIT = 10240


def _make_sc_gather(B, C, row0, num_workers, num_cores):
    rows = B - row0
    b_per_w = rows // num_workers
    n_win = b_per_w // _WROWS
    mesh = plsc.VectorSubcoreMesh(core_axis_name="c", subcore_axis_name="s")

    @functools.partial(
        pl.kernel,
        out_type=jax.ShapeDtypeStruct((rows,), jnp.float32),
        mesh=mesh,
        scratch_types=[
            pltpu.VMEM((b_per_w,), jnp.int32),
            pltpu.VMEM((_WROWS, C), jnp.float32),
            pltpu.VMEM((_WROWS, C), jnp.float32),
            pltpu.VMEM((b_per_w,), jnp.float32),
            pltpu.SemaphoreType.DMA,
            pltpu.SemaphoreType.DMA,
        ],
        compiler_params=pltpu.CompilerParams(
            use_tc_tiling_on_sc=True, needs_layout_passes=False
        ),
    )
    def gather_kernel(x_hbm, y_hbm, out_hbm, y_v, buf0, buf1, vals_v, s0, s1):
        wid = lax.axis_index("s") * num_cores + lax.axis_index("c")
        base = wid * b_per_w
        pltpu.sync_copy(y_hbm.at[pl.ds(row0 + base, b_per_w)], y_v)
        bufs = (buf0, buf1)
        sems = (s0, s1)

        def select(w):
            buf = bufs[w % 2]
            for i in range(_WROWS // _LANES):
                off = w * _WROWS + i * _LANES
                rows_v = lax.iota(jnp.int32, _LANES) + i * _LANES
                cols = y_v[pl.ds(off, _LANES)]
                vals_v[pl.ds(off, _LANES)] = plsc.load_gather(
                    buf, [rows_v, cols]
                )

        descs = [None, None]
        for w in range(n_win):
            descs[w % 2] = pltpu.async_copy(
                x_hbm.at[pl.ds(row0 + base + w * _WROWS, _WROWS), :],
                bufs[w % 2],
                sems[w % 2],
            )
            if w >= 1:
                descs[(w - 1) % 2].wait()
                select(w - 1)
        descs[(n_win - 1) % 2].wait()
        select(n_win - 1)
        pltpu.sync_copy(vals_v, out_hbm.at[pl.ds(base, b_per_w)])

    return gather_kernel


def _tc_select_kernel(y_ref, x_ref, o_ref):
    BR, C = x_ref.shape
    yb = y_ref[...].reshape(BR, 1)
    acc = jnp.zeros((BR, _LC), jnp.float32)
    for k in range(0, C, _LC):
        w = min(_LC, C - k)
        ids = jax.lax.broadcasted_iota(jnp.int32, (BR, w), 1) + k
        hit = jnp.where(ids == yb, x_ref[:, k:k + w], 0.0)
        if w < _LC:
            hit = jnp.pad(hit, ((0, 0), (0, _LC - w)))
        acc = acc + hit
    o_ref[...] = jnp.sum(acc, axis=1)


def _tc_select(logits, y32, n_rows):
    C = logits.shape[1]
    return pl.pallas_call(
        _tc_select_kernel,
        grid=(n_rows // _BR,),
        in_specs=[
            pl.BlockSpec((_BR,), lambda i: (i,)),
            pl.BlockSpec((_BR, C), lambda i: (i, 0)),
        ],
        out_specs=pl.BlockSpec((_BR,), lambda i: (i,)),
        out_shape=jax.ShapeDtypeStruct((n_rows,), jnp.float32),
    )(y32, logits)


def kernel(logits, y):
    B, C = logits.shape
    y32 = y.astype(jnp.int32)
    info = plsc.get_sparse_core_info()
    num_workers = info.num_cores * info.num_subcores
    sc_part = _make_sc_gather(B, C, _SPLIT, num_workers, info.num_cores)(
        logits, y32
    )
    tc_part = _tc_select(logits, y32, _SPLIT)
    return jnp.concatenate([tc_part, sc_part])

# --- scband reference (transcript-rebuilt; emitter-appended) ---
"""Pipeline reference for scband-identity-loss-37933151158866 (READ-ONLY COPY).

The authoritative reference and input builder live on the scoring server;
editing this copy changes nothing except your own understanding.
"""

import jax, jax.numpy as jnp
import numpy as np


def setup_inputs(seed: int = 0) -> dict:
    key = jax.random.key(seed)
    k1, k2 = jax.random.split(key)
    logits = jax.random.normal(k1, (16384, 1000), dtype=jnp.float32)
    y = jax.random.randint(k2, (16384,), 0, 1000, dtype=jnp.int64)
    return {"logits": logits, "y": y}


def reference(logits, y):
    # IdentityLoss.forward: loss = logits.gather(1, y.unsqueeze(1)).flatten()
    loss = jnp.take_along_axis(logits, y[:, None], axis=1).ravel()
    return loss

if __name__ == "__main__":
    import jax
    _d = setup_inputs()
    print(jax.jit(kernel)(*tuple(_d.values())))

</pallas_src>

<mosaic_0001>
#map = affine_map<(d0, d1) -> (0, 0)>
#map1 = affine_map<(d0, d1) -> (0)>
module attributes {stable_mosaic.version = 14 : i64} {
  func.func @gather_kernel(%arg0: i32, %arg1: i32, %arg2: memref<16384x1000xf32, #tpu.memory_space<hbm>>, %arg3: memref<16384xi32, #tpu.memory_space<hbm>>, %arg4: memref<6144xf32, #tpu.memory_space<hbm>>, %arg5: memref<192xi32, #tpu.memory_space<vmem>>, %arg6: memref<32x1000xf32, #tpu.memory_space<vmem>>, %arg7: memref<32x1000xf32, #tpu.memory_space<vmem>>, %arg8: memref<192xf32, #tpu.memory_space<vmem>>, %arg9: memref<!tpu.dma_semaphore, #tpu.memory_space<semaphore_mem>>, %arg10: memref<!tpu.dma_semaphore, #tpu.memory_space<semaphore_mem>>) attributes {dimension_semantics = [#tpu.dimension_semantics<core_parallel>, #tpu.dimension_semantics<subcore_parallel>], iteration_bounds = array<i64: 2, 16>, scalar_prefetch = 0 : i64, scratch_operands = 6 : i64, tpu.core_type = #tpu.core_type<sc_vector_subcore>, window_params = [{transform_indices = #map}, {transform_indices = #map1}, {transform_indices = #map1}]} {
    %mul3A = arith.constant 2 : i32
    %mul3A_0 = arith.muli %arg1, %mul3A : i32
    %add3A = arith.addi %mul3A_0, %arg0 : i32
    %mul3A_1 = arith.constant 192 : i32
    %mul3A_2 = arith.muli %add3A, %mul3A_1 : i32
    %add3A_3 = arith.constant 10240 : i32
    %add3A_4 = arith.addi %add3A_3, %mul3A_2 : i32
    "tpu.region"() ({
      %run_scoped3A = tpu.sem_alloc : memref<!tpu.dma_semaphore, #tpu.memory_space<semaphore_mem>>
      %dma_start3A_179 = tpu.memref_slice %arg3[%add3A_4] : memref<16384xi32, #tpu.memory_space<hbm>> -> memref<192xi32, #tpu.memory_space<hbm>>
      %dma_start3A_180 = tpu.memref_slice %arg3[%add3A_4] : memref<16384xi32, #tpu.memory_space<hbm>> -> memref<192xi32, #tpu.memory_space<hbm>>
      tpu.enqueue_dma source(%dma_start3A_180 : memref<192xi32, #tpu.memory_space<hbm>>) target(%arg5 : memref<192xi32, #tpu.memory_space<vmem>>) target_semaphore(%run_scoped3A : memref<!tpu.dma_semaphore, #tpu.memory_space<semaphore_mem>>)
      %dma_wait3A_181 = tpu.memref_slice %arg3[%add3A_4] : memref<16384xi32, #tpu.memory_space<hbm>> -> memref<192xi32, #tpu.memory_space<hbm>>
      %dma_wait3A_182 = tpu.memref_slice %arg3[%add3A_4] : memref<16384xi32, #tpu.memory_space<hbm>> -> memref<192xi32, #tpu.memory_space<hbm>>
      tpu.wait_dma2 semaphore(%run_scoped3A : memref<!tpu.dma_semaphore, #tpu.memory_space<semaphore_mem>>) src(%dma_wait3A_182 : memref<192xi32, #tpu.memory_space<hbm>>) dst(%arg5 : memref<192xi32, #tpu.memory_space<vmem>>)
      tpu.yield
    }) : () -> ()
    %add3A_5 = arith.constant 10240 : i32
    %add3A_6 = arith.addi %add3A_5, %mul3A_2 : i32
    %add3A_7 = arith.constant 0 : i32
    %add3A_8 = arith.addi %add3A_6, %add3A_7 : i32
    %dma_start3A = arith.constant 0 : i32
    %dma_start3A_9 = tpu.memref_slice %arg2[%add3A_8, %dma_start3A] : memref<16384x1000xf32, #tpu.memory_space<hbm>> -> memref<32x1000xf32, #tpu.memory_space<hbm>>
    %dma_start3A_10 = arith.constant 0 : i32
    %dma_start3A_11 = tpu.memref_slice %arg2[%add3A_8, %dma_start3A_10] : memref<16384x1000xf32, #tpu.memory_space<hbm>> -> memref<32x1000xf32, #tpu.memory_space<hbm>>
    tpu.enqueue_dma source(%dma_start3A_11 : memref<32x1000xf32, #tpu.memory_space<hbm>>) target(%arg6 : memref<32x1000xf32, #tpu.memory_space<vmem>>) target_semaphore(%arg9 : memref<!tpu.dma_semaphore, #tpu.memory_space<semaphore_mem>>)
    %add3A_12 = arith.constant 10240 : i32
    %add3A_13 = arith.addi %add3A_12, %mul3A_2 : i32
    %add3A_14 = arith.constant 32 : i32
    %add3A_15 = arith.addi %add3A_13, %add3A_14 : i32
    %dma_start3A_16 = arith.constant 0 : i32
    %dma_start3A_17 = tpu.memref_slice %arg2[%add3A_15, %dma_start3A_16] : memref<16384x1000xf32, #tpu.memory_space<hbm>> -> memref<32x1000xf32, #tpu.memory_space<hbm>>
    %dma_start3A_18 = arith.constant 0 : i32
    %dma_start3A_19 = tpu.memref_slice %arg2[%add3A_15, %dma_start3A_18] : memref<16384x1000xf32, #tpu.memory_space<hbm>> -> memref<32x1000xf32, #tpu.memory_space<hbm>>
    tpu.enqueue_dma source(%dma_start3A_19 : memref<32x1000xf32, #tpu.memory_space<hbm>>) target(%arg7 : memref<32x1000xf32, #tpu.memory_space<vmem>>) target_semaphore(%arg10 : memref<!tpu.dma_semaphore, #tpu.memory_space<semaphore_mem>>)
    %dma_wait3A = arith.constant 0 : i32
    %dma_wait3A_20 = tpu.memref_slice %arg2[%add3A_8, %dma_wait3A] : memref<16384x1000xf32, #tpu.memory_space<hbm>> -> memref<32x1000xf32, #tpu.memory_space<hbm>>
    %dma_wait3A_21 = arith.constant 0 : i32
    %dma_wait3A_22 = tpu.memref_slice %arg2[%add3A_8, %dma_wait3A_21] : memref<16384x1000xf32, #tpu.memory_space<hbm>> -> memref<32x1000xf32, #tpu.memory_space<hbm>>
    tpu.wait_dma2 semaphore(%arg9 : memref<!tpu.dma_semaphore, #tpu.memory_space<semaphore_mem>>) src(%dma_wait3A_22 : memref<32x1000xf32, #tpu.memory_space<hbm>>) dst(%arg6 : memref<32x1000xf32, #tpu.memory_space<vmem>>)
    %iota3A = tpu.iota {dimensions = array<i32: 0>} : vector<16xi32>
    %add3A_23 = arith.constant 0 : i32
    %add3A_24 = vector.broadcast %add3A_23 : i32 to vector<16xi32>
    %add3A_25 = arith.addi %iota3A, %add3A_24 : vector<16xi32>
    %get3A = arith.constant 0 : index
    %get3A_26 = tpu.vector_load %arg5[%get3A] {strides = array<i32>} : memref<192xi32, #tpu.memory_space<vmem>>, vector<16xi32>,
    %gather3A = tpu.vector_load_idx %arg6[%add3A_25, %get3A_26] : memref<32x1000xf32, #tpu.memory_space<vmem>>[vector<16xi32>, vector<16xi32>], vector<16xf32>,
    %swap3A = arith.constant 0 : index
    %swap3A_27 = tpu.vector_load %arg8[%swap3A] {strides = array<i32>} : memref<192xf32, #tpu.memory_space<vmem>>, vector<16xf32>,
    tpu.vector_store %arg8[%swap3A], %gather3A {strides = array<i32>} : memref<192xf32, #tpu.memory_space<vmem>>, vector<16xf32>,
    %iota3A_28 = tpu.iota {dimensions = array<i32: 0>} : vector<16xi32>
    %add3A_29 = arith.constant 16 : i32
    %add3A_30 = vector.broadcast %add3A_29 : i32 to vector<16xi32>
    %add3A_31 = arith.addi %iota3A_28, %add3A_30 : vector<16xi32>
    %get3A_32 = arith.constant 16 : index
    %get3A_33 = tpu.vector_load %arg5[%get3A_32] {strides = array<i32>} : memref<192xi32, #tpu.memory_space<vmem>>, vector<16xi32>,
    %gather3A_34 = tpu.vector_load_idx %arg6[%add3A_31, %get3A_33] : memref<32x1000xf32, #tpu.memory_space<vmem>>[vector<16xi32>, vector<16xi32>], vector<16xf32>,
    %swap3A_35 = arith.constant 16 : index
    %swap3A_36 = tpu.vector_load %arg8[%swap3A_35] {strides = array<i32>} : memref<192xf32, #tpu.memory_space<vmem>>, vector<16xf32>,
    tpu.vector_store %arg8[%swap3A_35], %gather3A_34 {strides = array<i32>} : memref<192xf32, #tpu.memory_space<vmem>>, vector<16xf32>,
    %add3A_37 = arith.constant 10240 : i32
    %add3A_38 = arith.addi %add3A_37, %mul3A_2 : i32
    %add3A_39 = arith.constant 64 : i32
    %add3A_40 = arith.addi %add3A_38, %add3A_39 : i32
    %dma_start3A_41 = arith.constant 0 : i32
    %dma_start3A_42 = tpu.memref_slice %arg2[%add3A_40, %dma_start3A_41] : memref<16384x1000xf32, #tpu.memory_space<hbm>> -> memref<32x1000xf32, #tpu.memory_space<hbm>>
    %dma_start3A_43 = arith.constant 0 : i32
    %dma_start3A_44 = tpu.memref_slice %arg2[%add3A_40, %dma_start3A_43] : memref<16384x1000xf32, #tpu.memory_space<hbm>> -> memref<32x1000xf32, #tpu.memory_space<hbm>>
    tpu.enqueue_dma source(%dma_start3A_44 : memref<32x1000xf32, #tpu.memory_space<hbm>>) target(%arg6 : memref<32x1000xf32, #tpu.memory_space<vmem>>) target_semaphore(%arg9 : memref<!tpu.dma_semaphore, #tpu.memory_space<semaphore_mem>>)
    %dma_wait3A_45 = arith.constant 0 : i32
    %dma_wait3A_46 = tpu.memref_slice %arg2[%add3A_15, %dma_wait3A_45] : memref<16384x1000xf32, #tpu.memory_space<hbm>> -> memref<32x1000xf32, #tpu.memory_space<hbm>>
    %dma_wait3A_47 = arith.constant 0 : i32
    %dma_wait3A_48 = tpu.memref_slice %arg2[%add3A_15, %dma_wait3A_47] : memref<16384x1000xf32, #tpu.memory_space<hbm>> -> memref<32x1000xf32, #tpu.memory_space<hbm>>
    tpu.wait_dma2 semaphore(%arg10 : memref<!tpu.dma_semaphore, #tpu.memory_space<semaphore_mem>>) src(%dma_wait3A_48 : memref<32x1000xf32, #tpu.memory_space<hbm>>) dst(%arg7 : memref<32x1000xf32, #tpu.memory_space<vmem>>)
    %iota3A_49 = tpu.iota {dimensions = array<i32: 0>} : vector<16xi32>
    %add3A_50 = arith.constant 0 : i32
    %add3A_51 = vector.broadcast %add3A_50 : i32 to vector<16xi32>
    %add3A_52 = arith.addi %iota3A_49, %add3A_51 : vector<16xi32>
    %get3A_53 = arith.constant 32 : index
    %get3A_54 = tpu.vector_load %arg5[%get3A_53] {strides = array<i32>} : memref<192xi32, #tpu.memory_space<vmem>>, vector<16xi32>,
    %gather3A_55 = tpu.vector_load_idx %arg7[%add3A_52, %get3A_54] : memref<32x1000xf32, #tpu.memory_space<vmem>>[vector<16xi32>, vector<16xi32>], vector<16xf32>,
    %swap3A_56 = arith.constant 32 : index
    %swap3A_57 = tpu.vector_load %arg8[%swap3A_56] {strides = array<i32>} : memref<192xf32, #tpu.memory_space<vmem>>, vector<16xf32>,
    tpu.vector_store %arg8[%swap3A_56], %gather3A_55 {strides = array<i32>} : memref<192xf32, #tpu.memory_space<vmem>>, vector<16xf32>,
    %iota3A_58 = tpu.iota {dimensions = array<i32: 0>} : vector<16xi32>
    %add3A_59 = arith.constant 16 : i32
    %add3A_60 = vector.broadcast %add3A_59 : i32 to vector<16xi32>
    %add3A_61 = arith.addi %iota3A_58, %add3A_60 : vector<16xi32>
    %get3A_62 = arith.constant 48 : index
    %get3A_63 = tpu.vector_load %arg5[%get3A_62] {strides = array<i32>} : memref<192xi32, #tpu.memory_space<vmem>>, vector<16xi32>,
    %gather3A_64 = tpu.vector_load_idx %arg7[%add3A_61, %get3A_63] : memref<32x1000xf32, #tpu.memory_space<vmem>>[vector<16xi32>, vector<16xi32>], vector<16xf32>,
    %swap3A_65 = arith.constant 48 : index
    %swap3A_66 = tpu.vector_load %arg8[%swap3A_65] {strides = array<i32>} : memref<192xf32, #tpu.memory_space<vmem>>, vector<16xf32>,
    tpu.vector_store %arg8[%swap3A_65], %gather3A_64 {strides = array<i32>} : memref<192xf32, #tpu.memory_space<vmem>>, vector<16xf32>,
    %add3A_67 = arith.constant 10240 : i32
    %add3A_68 = arith.addi %add3A_67, %mul3A_2 : i32
    %add3A_69 = arith.constant 96 : i32
    %add3A_70 = arith.addi %add3A_68, %add3A_69 : i32
    %dma_start3A_71 = arith.constant 0 : i32
    %dma_start3A_72 = tpu.memref_slice %arg2[%add3A_70, %dma_start3A_71] : memref<16384x1000xf32, #tpu.memory_space<hbm>> -> memref<32x1000xf32, #tpu.memory_space<hbm>>
    %dma_start3A_73 = arith.constant 0 : i32
    %dma_start3A_74 = tpu.memref_slice %arg2[%add3A_70, %dma_start3A_73] : memref<16384x1000xf32, #tpu.memory_space<hbm>> -> memref<32x1000xf32, #tpu.memory_space<hbm>>
    tpu.enqueue_dma source(%dma_start3A_74 : memref<32x1000xf32, #tpu.memory_space<hbm>>) target(%arg7 : memref<32x1000xf32, #tpu.memory_space<vmem>>) target_semaphore(%arg10 : memref<!tpu.dma_semaphore, #tpu.memory_space<semaphore_mem>>)
    %dma_wait3A_75 = arith.constant 0 : i32
    %dma_wait3A_76 = tpu.memref_slice %arg2[%add3A_40, %dma_wait3A_75] : memref<16384x1000xf32, #tpu.memory_space<hbm>> -> memref<32x1000xf32, #tpu.memory_space<hbm>>
    %dma_wait3A_77 = arith.constant 0 : i32
    %dma_wait3A_78 = tpu.memref_slice %arg2[%add3A_40, %dma_wait3A_77] : memref<16384x1000xf32, #tpu.memory_space<hbm>> -> memref<32x1000xf32, #tpu.memory_space<hbm>>
    tpu.wait_dma2 semaphore(%arg9 : memref<!tpu.dma_semaphore, #tpu.memory_space<semaphore_mem>>) src(%dma_wait3A_78 : memref<32x1000xf32, #tpu.memory_space<hbm>>) dst(%arg6 : memref<32x1000xf32, #tpu.memory_space<vmem>>)
    %iota3A_79 = tpu.iota {dimensions = array<i32: 0>} : vector<16xi32>
    %add3A_80 = arith.constant 0 : i32
    %add3A_81 = vector.broadcast %add3A_80 : i32 to vector<16xi32>
    %add3A_82 = arith.addi %iota3A_79, %add3A_81 : vector<16xi32>
    %get3A_83 = arith.constant 64 : index
    %get3A_84 = tpu.vector_load %arg5[%get3A_83] {strides = array<i32>} : memref<192xi32, #tpu.memory_space<vmem>>, vector<16xi32>,
    %gather3A_85 = tpu.vector_load_idx %arg6[%add3A_82, %get3A_84] : memref<32x1000xf32, #tpu.memory_space<vmem>>[vector<16xi32>, vector<16xi32>], vector<16xf32>,
    %swap3A_86 = arith.constant 64 : index
    %swap3A_87 = tpu.vector_load %arg8[%swap3A_86] {strides = array<i32>} : memref<192xf32, #tpu.memory_space<vmem>>, vector<16xf32>,
    tpu.vector_store %arg8[%swap3A_86], %gather3A_85 {strides = array<i32>} : memref<192xf32, #tpu.memory_space<vmem>>, vector<16xf32>,
    %iota3A_88 = tpu.iota {dimensions = array<i32: 0>} : vector<16xi32>
    %add3A_89 = arith.constant 16 : i32
    %add3A_90 = vector.broadcast %add3A_89 : i32 to vector<16xi32>
    %add3A_91 = arith.addi %iota3A_88, %add3A_90 : vector<16xi32>
    %get3A_92 = arith.constant 80 : index
    %get3A_93 = tpu.vector_load %arg5[%get3A_92] {strides = array<i32>} : memref<192xi32, #tpu.memory_space<vmem>>, vector<16xi32>,
    %gather3A_94 = tpu.vector_load_idx %arg6[%add3A_91, %get3A_93] : memref<32x1000xf32, #tpu.memory_space<vmem>>[vector<16xi32>, vector<16xi32>], vector<16xf32>,
    %swap3A_95 = arith.constant 80 : index
    %swap3A_96 = tpu.vector_load %arg8[%swap3A_95] {strides = array<i32>} : memref<192xf32, #tpu.memory_space<vmem>>, vector<16xf32>,
    tpu.vector_store %arg8[%swap3A_95], %gather3A_94 {strides = array<i32>} : memref<192xf32, #tpu.memory_space<vmem>>, vector<16xf32>,
    %add3A_97 = arith.constant 10240 : i32
    %add3A_98 = arith.addi %add3A_97, %mul3A_2 : i32
    %add3A_99 = arith.constant 128 : i32
    %add3A_100 = arith.addi %add3A_98, %add3A_99 : i32
    %dma_start3A_101 = arith.constant 0 : i32
    %dma_start3A_102 = tpu.memref_slice %arg2[%add3A_100, %dma_start3A_101] : memref<16384x1000xf32, #tpu.memory_space<hbm>> -> memref<32x1000xf32, #tpu.memory_space<hbm>>
    %dma_start3A_103 = arith.constant 0 : i32
    %dma_start3A_104 = tpu.memref_slice %arg2[%add3A_100, %dma_start3A_103] : memref<16384x1000xf32, #tpu.memory_space<hbm>> -> memref<32x1000xf32, #tpu.memory_space<hbm>>
    tpu.enqueue_dma source(%dma_start3A_104 : memref<32x1000xf32, #tpu.memory_space<hbm>>) target(%arg6 : memref<32x1000xf32, #tpu.memory_space<vmem>>) target_semaphore(%arg9 : memref<!tpu.dma_semaphore, #tpu.memory_space<semaphore_mem>>)
    %dma_wait3A_105 = arith.constant 0 : i32
    %dma_wait3A_106 = tpu.memref_slice %arg2[%add3A_70, %dma_wait3A_105] : memref<16384x1000xf32, #tpu.memory_space<hbm>> -> memref<32x1000xf32, #tpu.memory_space<hbm>>
    %dma_wait3A_107 = arith.constant 0 : i32
    %dma_wait3A_108 = tpu.memref_slice %arg2[%add3A_70, %dma_wait3A_107] : memref<16384x1000xf32, #tpu.memory_space<hbm>> -> memref<32x1000xf32, #tpu.memory_space<hbm>>
    tpu.wait_dma2 semaphore(%arg10 : memref<!tpu.dma_semaphore, #tpu.memory_space<semaphore_mem>>) src(%dma_wait3A_108 : memref<32x1000xf32, #tpu.memory_space<hbm>>) dst(%arg7 : memref<32x1000xf32, #tpu.memory_space<vmem>>)
    %iota3A_109 = tpu.iota {dimensions = array<i32: 0>} : vector<16xi32>
    %add3A_110 = arith.constant 0 : i32
    %add3A_111 = vector.broadcast %add3A_110 : i32 to vector<16xi32>
    %add3A_112 = arith.addi %iota3A_109, %add3A_111 : vector<16xi32>
    %get3A_113 = arith.constant 96 : index
    %get3A_114 = tpu.vector_load %arg5[%get3A_113] {strides = array<i32>} : memref<192xi32, #tpu.memory_space<vmem>>, vector<16xi32>,
    %gather3A_115 = tpu.vector_load_idx %arg7[%add3A_112, %get3A_114] : memref<32x1000xf32, #tpu.memory_space<vmem>>[vector<16xi32>, vector<16xi32>], vector<16xf32>,
    %swap3A_116 = arith.constant 96 : index
    %swap3A_117 = tpu.vector_load %arg8[%swap3A_116] {strides = array<i32>} : memref<192xf32, #tpu.memory_space<vmem>>, vector<16xf32>,
    tpu.vector_store %arg8[%swap3A_116], %gather3A_115 {strides = array<i32>} : memref<192xf32, #tpu.memory_space<vmem>>, vector<16xf32>,
    %iota3A_118 = tpu.iota {dimensions = array<i32: 0>} : vector<16xi32>
    %add3A_119 = arith.constant 16 : i32
    %add3A_120 = vector.broadcast %add3A_119 : i32 to vector<16xi32>
    %add3A_121 = arith.addi %iota3A_118, %add3A_120 : vector<16xi32>
    %get3A_122 = arith.constant 112 : index
    %get3A_123 = tpu.vector_load %arg5[%get3A_122] {strides = array<i32>} : memref<192xi32, #tpu.memory_space<vmem>>, vector<16xi32>,
    %gather3A_124 = tpu.vector_load_idx %arg7[%add3A_121, %get3A_123] : memref<32x1000xf32, #tpu.memory_space<vmem>>[vector<16xi32>, vector<16xi32>], vector<16xf32>,
    %swap3A_125 = arith.constant 112 : index
    %swap3A_126 = tpu.vector_load %arg8[%swap3A_125] {strides = array<i32>} : memref<192xf32, #tpu.memory_space<vmem>>, vector<16xf32>,
    tpu.vector_store %arg8[%swap3A_125], %gather3A_124 {strides = array<i32>} : memref<192xf32, #tpu.memory_space<vmem>>, vector<16xf32>,
    %add3A_127 = arith.constant 10240 : i32
    %add3A_128 = arith.addi %add3A_127, %mul3A_2 : i32
    %add3A_129 = arith.constant 160 : i32
    %add3A_130 = arith.addi %add3A_128, %add3A_129 : i32
    %dma_start3A_131 = arith.constant 0 : i32
    %dma_start3A_132 = tpu.memref_slice %arg2[%add3A_130, %dma_start3A_131] : memref<16384x1000xf32, #tpu.memory_space<hbm>> -> memref<32x1000xf32, #tpu.memory_space<hbm>>
    %dma_start3A_133 = arith.constant 0 : i32
    %dma_start3A_134 = tpu.memref_slice %arg2[%add3A_130, %dma_start3A_133] : memref<16384x1000xf32, #tpu.memory_space<hbm>> -> memref<32x1000xf32, #tpu.memory_space<hbm>>
    tpu.enqueue_dma source(%dma_start3A_134 : memref<32x1000xf32, #tpu.memory_space<hbm>>) target(%arg7 : memref<32x1000xf32, #tpu.memory_space<vmem>>) target_semaphore(%arg10 : memref<!tpu.dma_semaphore, #tpu.memory_space<semaphore_mem>>)
    %dma_wait3A_135 = arith.constant 0 : i32
    %dma_wait3A_136 = tpu.memref_slice %arg2[%add3A_100, %dma_wait3A_135] : memref<16384x1000xf32, #tpu.memory_space<hbm>> -> memref<32x1000xf32, #tpu.memory_space<hbm>>
    %dma_wait3A_137 = arith.constant 0 : i32
    %dma_wait3A_138 = tpu.memref_slice %arg2[%add3A_100, %dma_wait3A_137] : memref<16384x1000xf32, #tpu.memory_space<hbm>> -> memref<32x1000xf32, #tpu.memory_space<hbm>>
    tpu.wait_dma2 semaphore(%arg9 : memref<!tpu.dma_semaphore, #tpu.memory_space<semaphore_mem>>) src(%dma_wait3A_138 : memref<32x1000xf32, #tpu.memory_space<hbm>>) dst(%arg6 : memref<32x1000xf32, #tpu.memory_space<vmem>>)
    %iota3A_139 = tpu.iota {dimensions = array<i32: 0>} : vector<16xi32>
    %add3A_140 = arith.constant 0 : i32
    %add3A_141 = vector.broadcast %add3A_140 : i32 to vector<16xi32>
    %add3A_142 = arith.addi %iota3A_139, %add3A_141 : vector<16xi32>
    %get3A_143 = arith.constant 128 : index
    %get3A_144 = tpu.vector_load %arg5[%get3A_143] {strides = array<i32>} : memref<192xi32, #tpu.memory_space<vmem>>, vector<16xi32>,
    %gather3A_145 = tpu.vector_load_idx %arg6[%add3A_142, %get3A_144] : memref<32x1000xf32, #tpu.memory_space<vmem>>[vector<16xi32>, vector<16xi32>], vector<16xf32>,
    %swap3A_146 = arith.constant 128 : index
    %swap3A_147 = tpu.vector_load %arg8[%swap3A_146] {strides = array<i32>} : memref<192xf32, #tpu.memory_space<vmem>>, vector<16xf32>,
    tpu.vector_store %arg8[%swap3A_146], %gather3A_145 {strides = array<i32>} : memref<192xf32, #tpu.memory_space<vmem>>, vector<16xf32>,
    %iota3A_148 = tpu.iota {dimensions = array<i32: 0>} : vector<16xi32>
    %add3A_149 = arith.constant 16 : i32
    %add3A_150 = vector.broadcast %add3A_149 : i32 to vector<16xi32>
    %add3A_151 = arith.addi %iota3A_148, %add3A_150 : vector<16xi32>
    %get3A_152 = arith.constant 144 : index
    %get3A_153 = tpu.vector_load %arg5[%get3A_152] {strides = array<i32>} : memref<192xi32, #tpu.memory_space<vmem>>, vector<16xi32>,
    %gather3A_154 = tpu.vector_load_idx %arg6[%add3A_151, %get3A_153] : memref<32x1000xf32, #tpu.memory_space<vmem>>[vector<16xi32>, vector<16xi32>], vector<16xf32>,
    %swap3A_155 = arith.constant 144 : index
    %swap3A_156 = tpu.vector_load %arg8[%swap3A_155] {strides = array<i32>} : memref<192xf32, #tpu.memory_space<vmem>>, vector<16xf32>,
    tpu.vector_store %arg8[%swap3A_155], %gather3A_154 {strides = array<i32>} : memref<192xf32, #tpu.memory_space<vmem>>, vector<16xf32>,
    %dma_wait3A_157 = arith.constant 0 : i32
    %dma_wait3A_158 = tpu.memref_slice %arg2[%add3A_130, %dma_wait3A_157] : memref<16384x1000xf32, #tpu.memory_space<hbm>> -> memref<32x1000xf32, #tpu.memory_space<hbm>>
    %dma_wait3A_159 = arith.constant 0 : i32
    %dma_wait3A_160 = tpu.memref_slice %arg2[%add3A_130, %dma_wait3A_159] : memref<16384x1000xf32, #tpu.memory_space<hbm>> -> memref<32x1000xf32, #tpu.memory_space<hbm>>
    tpu.wait_dma2 semaphore(%arg10 : memref<!tpu.dma_semaphore, #tpu.memory_space<semaphore_mem>>) src(%dma_wait3A_160 : memref<32x1000xf32, #tpu.memory_space<hbm>>) dst(%arg7 : memref<32x1000xf32, #tpu.memory_space<vmem>>)
    %iota3A_161 = tpu.iota {dimensions = array<i32: 0>} : vector<16xi32>
    %add3A_162 = arith.constant 0 : i32
    %add3A_163 = vector.broadcast %add3A_162 : i32 to vector<16xi32>
    %add3A_164 = arith.addi %iota3A_161, %add3A_163 : vector<16xi32>
    %get3A_165 = arith.constant 160 : index
    %get3A_166 = tpu.vector_load %arg5[%get3A_165] {strides = array<i32>} : memref<192xi32, #tpu.memory_space<vmem>>, vector<16xi32>,
    %gather3A_167 = tpu.vector_load_idx %arg7[%add3A_164, %get3A_166] : memref<32x1000xf32, #tpu.memory_space<vmem>>[vector<16xi32>, vector<16xi32>], vector<16xf32>,
    %swap3A_168 = arith.constant 160 : index
    %swap3A_169 = tpu.vector_load %arg8[%swap3A_168] {strides = array<i32>} : memref<192xf32, #tpu.memory_space<vmem>>, vector<16xf32>,
    tpu.vector_store %arg8[%swap3A_168], %gather3A_167 {strides = array<i32>} : memref<192xf32, #tpu.memory_space<vmem>>, vector<16xf32>,
    %iota3A_170 = tpu.iota {dimensions = array<i32: 0>} : vector<16xi32>
    %add3A_171 = arith.constant 16 : i32
    %add3A_172 = vector.broadcast %add3A_171 : i32 to vector<16xi32>
    %add3A_173 = arith.addi %iota3A_170, %add3A_172 : vector<16xi32>
    %get3A_174 = arith.constant 176 : index
    %get3A_175 = tpu.vector_load %arg5[%get3A_174] {strides = array<i32>} : memref<192xi32, #tpu.memory_space<vmem>>, vector<16xi32>,
    %gather3A_176 = tpu.vector_load_idx %arg7[%add3A_173, %get3A_175] : memref<32x1000xf32, #tpu.memory_space<vmem>>[vector<16xi32>, vector<16xi32>], vector<16xf32>,
    %swap3A_177 = arith.constant 176 : index
    %swap3A_178 = tpu.vector_load %arg8[%swap3A_177] {strides = array<i32>} : memref<192xf32, #tpu.memory_space<vmem>>, vector<16xf32>,
    tpu.vector_store %arg8[%swap3A_177], %gather3A_176 {strides = array<i32>} : memref<192xf32, #tpu.memory_space<vmem>>, vector<16xf32>,
    "tpu.region"() ({
      %run_scoped3A = tpu.sem_alloc : memref<!tpu.dma_semaphore, #tpu.memory_space<semaphore_mem>>
      %dma_start3A_179 = tpu.memref_slice %arg4[%mul3A_2] : memref<6144xf32, #tpu.memory_space<hbm>> -> memref<192xf32, #tpu.memory_space<hbm>>
      %dma_start3A_180 = tpu.memref_slice %arg4[%mul3A_2] : memref<6144xf32, #tpu.memory_space<hbm>> -> memref<192xf32, #tpu.memory_space<hbm>>
      tpu.enqueue_dma source(%arg8 : memref<192xf32, #tpu.memory_space<vmem>>) target(%dma_start3A_180 : memref<192xf32, #tpu.memory_space<hbm>>) target_semaphore(%run_scoped3A : memref<!tpu.dma_semaphore, #tpu.memory_space<semaphore_mem>>)
      %dma_wait3A_181 = tpu.memref_slice %arg4[%mul3A_2] : memref<6144xf32, #tpu.memory_space<hbm>> -> memref<192xf32, #tpu.memory_space<hbm>>
      %dma_wait3A_182 = tpu.memref_slice %arg4[%mul3A_2] : memref<6144xf32, #tpu.memory_space<hbm>> -> memref<192xf32, #tpu.memory_space<hbm>>
      tpu.wait_dma2 semaphore(%run_scoped3A : memref<!tpu.dma_semaphore, #tpu.memory_space<semaphore_mem>>) src(%arg8 : memref<192xf32, #tpu.memory_space<vmem>>) dst(%dma_wait3A_182 : memref<192xf32, #tpu.memory_space<hbm>>)
      tpu.yield
    }) : () -> ()
    return
  }
}

module attributes {stable_mosaic.version = 14 : i64} {
  func.func @_tc_select_kernel(%arg0: i32, %arg1: memref<2048xi32, #tpu.memory_space<vmem>>, %arg2: memref<2048x1000xf32, #tpu.memory_space<vmem>>, %arg3: memref<2048xf32, #tpu.memory_space<vmem>>) attributes {dimension_semantics = [#tpu.dimension_semantics<arbitrary>], iteration_bounds = array<i64: 5>, scalar_prefetch = 0 : i64, scratch_operands = 0 : i64, tpu.core_type = #tpu.core_type<tc>, window_params = [{transform_indices = @transform_0, window_bounds = array<i64: 2048>}, {transform_indices = @transform_1, window_bounds = array<i64: 2048, 1000>}, {transform_indices = @transform_2, window_bounds = array<i64: 2048>}]} {
    %get3A = arith.constant 0 : index
    %get3A_0 = vector.load %arg1[%get3A] : memref<2048xi32, #tpu.memory_space<vmem>>, vector<2048xi32>
    %reshape3A = vector.shape_cast %get3A_0 : vector<2048xi32> to vector<2048x1xi32>
    %broadcast_in_dim3A = arith.constant 0.000000e+00 : f32
    %broadcast_in_dim3A_1 = vector.broadcast %broadcast_in_dim3A : f32 to vector<2048x128xf32>
    %iota3A = tpu.iota {dimensions = array<i32: 1>} : vector<2048x128xi32>
    %add3A = arith.constant 0 : i32
    %add3A_2 = vector.broadcast %add3A : i32 to vector<2048x128xi32>
    %add3A_3 = arith.addi %iota3A, %add3A_2 : vector<2048x128xi32>
    %eq3A = vector.broadcast %reshape3A : vector<2048x1xi32> to vector<2048x128xi32>
    %eq3A_4 = arith.cmpi eq, %add3A_3, %eq3A : vector<2048x128xi32>
    %get3A_5 = arith.constant 0 : index
    %get3A_6 = arith.constant 0 : index
    %get3A_7 = vector.load %arg2[%get3A_5, %get3A_6] : memref<2048x1000xf32, #tpu.memory_space<vmem>>, vector<2048x128xf32>
    %jit3A = arith.constant 0.000000e+00 : f32
    %broadcast_in_dim3A_8 = vector.broadcast %jit3A : f32 to vector<2048x128xf32>
    %select_n3A = arith.select %eq3A_4, %get3A_7, %broadcast_in_dim3A_8 : vector<2048x128xi1>, vector<2048x128xf32>
    %add3A_9 = arith.addf %broadcast_in_dim3A_1, %select_n3A : vector<2048x128xf32>
    %iota3A_10 = tpu.iota {dimensions = array<i32: 1>} : vector<2048x128xi32>
    %add3A_11 = arith.constant 128 : i32
    %add3A_12 = vector.broadcast %add3A_11 : i32 to vector<2048x128xi32>
    %add3A_13 = arith.addi %iota3A_10, %add3A_12 : vector<2048x128xi32>
    %eq3A_14 = vector.broadcast %reshape3A : vector<2048x1xi32> to vector<2048x128xi32>
    %eq3A_15 = arith.cmpi eq, %add3A_13, %eq3A_14 : vector<2048x128xi32>
    %get3A_16 = arith.constant 0 : index
    %get3A_17 = arith.constant 128 : index
    %get3A_18 = vector.load %arg2[%get3A_16, %get3A_17] : memref<2048x1000xf32, #tpu.memory_space<vmem>>, vector<2048x128xf32>
    %jit3A_19 = arith.constant 0.000000e+00 : f32
    %broadcast_in_dim3A_20 = vector.broadcast %jit3A_19 : f32 to vector<2048x128xf32>
    %select_n3A_21 = arith.select %eq3A_15, %get3A_18, %broadcast_in_dim3A_20 : vector<2048x128xi1>, vector<2048x128xf32>
    %add3A_22 = arith.addf %add3A_9, %select_n3A_21 : vector<2048x128xf32>
    %iota3A_23 = tpu.iota {dimensions = array<i32: 1>} : vector<2048x128xi32>
    %add3A_24 = arith.constant 256 : i32
    %add3A_25 = vector.broadcast %add3A_24 : i32 to vector<2048x128xi32>
    %add3A_26 = arith.addi %iota3A_23, %add3A_25 : vector<2048x128xi32>
    %eq3A_27 = vector.broadcast %reshape3A : vector<2048x1xi32> to vector<2048x128xi32>
    %eq3A_28 = arith.cmpi eq, %add3A_26, %eq3A_27 : vector<2048x128xi32>
    %get3A_29 = arith.constant 0 : index
    %get3A_30 = arith.constant 256 : index
    %get3A_31 = vector.load %arg2[%get3A_29, %get3A_30] : memref<2048x1000xf32, #tpu.memory_space<vmem>>, vector<2048x128xf32>
    %jit3A_32 = arith.constant 0.000000e+00 : f32
    %broadcast_in_dim3A_33 = vector.broadcast %jit3A_32 : f32 to vector<2048x128xf32>
    %select_n3A_34 = arith.select %eq3A_28, %get3A_31, %broadcast_in_dim3A_33 : vector<2048x128xi1>, vector<2048x128xf32>
    %add3A_35 = arith.addf %add3A_22, %select_n3A_34 : vector<2048x128xf32>
    %iota3A_36 = tpu.iota {dimensions = array<i32: 1>} : vector<2048x128xi32>
    %add3A_37 = arith.constant 384 : i32
    %add3A_38 = vector.broadcast %add3A_37 : i32 to vector<2048x128xi32>
    %add3A_39 = arith.addi %iota3A_36, %add3A_38 : vector<2048x128xi32>
    %eq3A_40 = vector.broadcast %reshape3A : vector<2048x1xi32> to vector<2048x128xi32>
    %eq3A_41 = arith.cmpi eq, %add3A_39, %eq3A_40 : vector<2048x128xi32>
    %get3A_42 = arith.constant 0 : index
    %get3A_43 = arith.constant 384 : index
    %get3A_44 = vector.load %arg2[%get3A_42, %get3A_43] : memref<2048x1000xf32, #tpu.memory_space<vmem>>, vector<2048x128xf32>
    %jit3A_45 = arith.constant 0.000000e+00 : f32
    %broadcast_in_dim3A_46 = vector.broadcast %jit3A_45 : f32 to vector<2048x128xf32>
    %select_n3A_47 = arith.select %eq3A_41, %get3A_44, %broadcast_in_dim3A_46 : vector<2048x128xi1>, vector<2048x128xf32>
    %add3A_48 = arith.addf %add3A_35, %select_n3A_47 : vector<2048x128xf32>
    %iota3A_49 = tpu.iota {dimensions = array<i32: 1>} : vector<2048x128xi32>
    %add3A_50 = arith.constant 512 : i32
    %add3A_51 = vector.broadcast %add3A_50 : i32 to vector<2048x128xi32>
    %add3A_52 = arith.addi %iota3A_49, %add3A_51 : vector<2048x128xi32>
    %eq3A_53 = vector.broadcast %reshape3A : vector<2048x1xi32> to vector<2048x128xi32>
    %eq3A_54 = arith.cmpi eq, %add3A_52, %eq3A_53 : vector<2048x128xi32>
    %get3A_55 = arith.constant 0 : index
    %get3A_56 = arith.constant 512 : index
    %get3A_57 = vector.load %arg2[%get3A_55, %get3A_56] : memref<2048x1000xf32, #tpu.memory_space<vmem>>, vector<2048x128xf32>
    %jit3A_58 = arith.constant 0.000000e+00 : f32
    %broadcast_in_dim3A_59 = vector.broadcast %jit3A_58 : f32 to vector<2048x128xf32>
    %select_n3A_60 = arith.select %eq3A_54, %get3A_57, %broadcast_in_dim3A_59 : vector<2048x128xi1>, vector<2048x128xf32>
    %add3A_61 = arith.addf %add3A_48, %select_n3A_60 : vector<2048x128xf32>
    %iota3A_62 = tpu.iota {dimensions = array<i32: 1>} : vector<2048x128xi32>
    %add3A_63 = arith.constant 640 : i32
    %add3A_64 = vector.broadcast %add3A_63 : i32 to vector<2048x128xi32>
    %add3A_65 = arith.addi %iota3A_62, %add3A_64 : vector<2048x128xi32>
    %eq3A_66 = vector.broadcast %reshape3A : vector<2048x1xi32> to vector<2048x128xi32>
    %eq3A_67 = arith.cmpi eq, %add3A_65, %eq3A_66 : vector<2048x128xi32>
    %get3A_68 = arith.constant 0 : index
    %get3A_69 = arith.constant 640 : index
    %get3A_70 = vector.load %arg2[%get3A_68, %get3A_69] : memref<2048x1000xf32, #tpu.memory_space<vmem>>, vector<2048x128xf32>
    %jit3A_71 = arith.constant 0.000000e+00 : f32
    %broadcast_in_dim3A_72 = vector.broadcast %jit3A_71 : f32 to vector<2048x128xf32>
    %select_n3A_73 = arith.select %eq3A_67, %get3A_70, %broadcast_in_dim3A_72 : vector<2048x128xi1>, vector<2048x128xf32>
    %add3A_74 = arith.addf %add3A_61, %select_n3A_73 : vector<2048x128xf32>
    %iota3A_75 = tpu.iota {dimensions = array<i32: 1>} : vector<2048x128xi32>
    %add3A_76 = arith.constant 768 : i32
    %add3A_77 = vector.broadcast %add3A_76 : i32 to vector<2048x128xi32>
    %add3A_78 = arith.addi %iota3A_75, %add3A_77 : vector<2048x128xi32>
    %eq3A_79 = vector.broadcast %reshape3A : vector<2048x1xi32> to vector<2048x128xi32>
    %eq3A_80 = arith.cmpi eq, %add3A_78, %eq3A_79 : vector<2048x128xi32>
    %get3A_81 = arith.constant 0 : index
    %get3A_82 = arith.constant 768 : index
    %get3A_83 = vector.load %arg2[%get3A_81, %get3A_82] : memref<2048x1000xf32, #tpu.memory_space<vmem>>, vector<2048x128xf32>
    %jit3A_84 = arith.constant 0.000000e+00 : f32
    %broadcast_in_dim3A_85 = vector.broadcast %jit3A_84 : f32 to vector<2048x128xf32>
    %select_n3A_86 = arith.select %eq3A_80, %get3A_83, %broadcast_in_dim3A_85 : vector<2048x128xi1>, vector<2048x128xf32>
    %add3A_87 = arith.addf %add3A_74, %select_n3A_86 : vector<2048x128xf32>
    %iota3A_88 = tpu.iota {dimensions = array<i32: 1>} : vector<2048x104xi32>
    %add3A_89 = arith.constant 896 : i32
    %add3A_90 = vector.broadcast %add3A_89 : i32 to vector<2048x104xi32>
    %add3A_91 = arith.addi %iota3A_88, %add3A_90 : vector<2048x104xi32>
    %eq3A_92 = vector.broadcast %reshape3A : vector<2048x1xi32> to vector<2048x104xi32>
    %eq3A_93 = arith.cmpi eq, %add3A_91, %eq3A_92 : vector<2048x104xi32>
    %get3A_94 = arith.constant 0 : index
    %get3A_95 = arith.constant 896 : index
    %get3A_96 = vector.load %arg2[%get3A_94, %get3A_95] : memref<2048x1000xf32, #tpu.memory_space<vmem>>, vector<2048x104xf32>
    %jit3A_97 = arith.constant 0.000000e+00 : f32
    %broadcast_in_dim3A_98 = vector.broadcast %jit3A_97 : f32 to vector<2048x104xf32>
    %select_n3A_99 = arith.select %eq3A_93, %get3A_96, %broadcast_in_dim3A_98 : vector<2048x104xi1>, vector<2048x104xf32>
    %jit3A_100 = arith.constant 0 : i32
    %convert_element_type3A = arith.sitofp %jit3A_100 : i32 to f32
    %pad3A = vector.broadcast %convert_element_type3A : f32 to vector<2048x24xf32>
    %pad3A_101 = tpu.concatenate %select_n3A_99, %pad3A in 1 : vector<2048x104xf32>, vector<2048x24xf32> -> vector<2048x128xf32>
    %add3A_102 = arith.addf %add3A_87, %pad3A_101 : vector<2048x128xf32>
    %reduce_sum3A = arith.constant dense<0.000000e+00> : vector<2048xf32>
    %reduce_sum3A_103 = vector.multi_reduction <add>, %add3A_102, %reduce_sum3A [1] : vector<2048x128xf32> to vector<2048xf32>
    %swap3A = arith.constant 0 : index
    %swap3A_104 = vector.load %arg3[%swap3A] : memref<2048xf32, #tpu.memory_space<vmem>>, vector<2048xf32>
    tpu.vector_store %arg3[%swap3A], %reduce_sum3A_103 {strides = array<i32>} : memref<2048xf32, #tpu.memory_space<vmem>>, vector<2048xf32>,
    return
  }
  func.func @transform_0(%arg0: i32) -> i32 {
    %c0_i32 = arith.constant 0 : i32
    return %arg0 : i32
  }
  func.func @transform_1(%arg0: i32) -> (i32, i32) {
    %c0_i32 = arith.constant 0 : i32
    %c0_i32_0 = arith.constant 0 : i32
    return %arg0, %c0_i32 : i32, i32
  }
  func.func @transform_2(%arg0: i32) -> i32 {
    %c0_i32 = arith.constant 0 : i32
    return %arg0 : i32
  }
}

</mosaic_0001>

<sc_bundles>
// kernel: kernel.4.cloned.1.call-start
scs
__scs_entry_jumppad:
0x0: {  	(pc) =	sbr.rel $0x88, $3  }
0x1: {  	(tag) =	ssettag $0x0;
	lr =	simm.s32 $0x1  }
0x2: {  	[smem:$0x3F9F] =	sst lr;
	_ =	strace $0xD0000000  }
0x3: {  	_ = 	snop  }
0x4: {  	_ = 	snop  }
0x5: {  	_ = 	snop  }
0x6: {  	_ = 	snop  }
0x7: {  	_ = 	snop  }
__scs_overlays_trampoline_lowered:
0x8: {  	[smem:$0x3FAE] =	sst s0  }
0x9: {  	[smem:$0x3FAF] =	sst s1  }
0xa: {  	[smem:$0x3FB0] =	sst s2  }
0xb: {  	[smem:$0x3FB1] =	sst s3  }
0xc: {  	[smem:$0x3FB2] =	sst s4  }
0xd: {  	[smem:$0x3FB3] =	sst s5  }
0xe: {  	[smem:$0x3FB4] =	sst s6  }
0xf: {  	[smem:$0x3FB5] =	sst s7  }
0x10: {  	[smem:$0x3FB6] =	sst s8  }
0x11: {  	[smem:$0x3FB7] =	sst s9;
	s0 =	simm.s32 @!p0 $0x0  }
0x12: {  	s1 =	sld [smem:$0x3F9D];
	s0 =	simm.s32 @p0 $0x1  }
0x13: {  	[smem:$0x3FB8] =	sst s0;
	s0 =	simm.s32 @!p1 $0x0  }
0x14: {  	s2 =	sld [smem:$0x3F9C];
	s0 =	simm.s32 @p1 $0x1  }
0x15: {  	[smem:$0x3FB9] =	sst s0;
	s0 =	simm.s32 @!p2 $0x0  }
0x16: {  	s3 =	sld [smem:$0x3FDB];
	s0 =	simm.s32 @p2 $0x1  }
0x17: {  	s4 =	simm.s32 $0x1BF5;
	[smem:$0x3FBB] =	sst s0  }
0x18: {  	s0 =	sld [smem:$0x3F9E];
	_ =	swait.ge [sflag:s4], $0x0  }
0x19: {  	s7 =	sld [smem:$0x3F9F]  }
0x1a: {  	s8 =	sadd.s32 $0xFFFFE003, lr  }
0x1b: {  	s9 =	sadd.s32 $0xFFFFFEF7, lr;
	s5 =	simm.s32 $0xFFFFFFFF;
	p2 =	slt.u32 s8, $0xFFFFF086  }
0x1c: {  	p1 =	slt.u32 s9, $0xF7A;
	s5 =	simm.s32 @!p2 $0x0  }
0x1d: {  	s5 =	simm.s32 @p1 $0x1;
	p0 =	seq.s32 s7, s2  }
0x1e: {  	s7 =	smul.u32 @!p0 $0xF7A, s2;
	p2 =	seq.s32 @!p0 s5, $0x0  }
0x1f: {  	s9 =	smul.u32 $0xF7A, s1;
	s8 =	simm.s32 @!p0 $0x1BF5;
	p2 =	por !p2, p0  }
0x20: {  	[sflag:s8] =	ssyncset.s32 @!p0 $0xFFFFF086;
	s6 =	sadd.s32 @!p0 s3, s7;
	s7 =	simm.s32 @!p0 $0x108  }
0x21: {  	s3 =	sadd.s32 s3, s9;
	s6 =	sadd.s32 @!p0 $0x88, s6;
	s7 =	simm.s32 @p2 $0x1082  }
0x22: {  	[simem:s7], [sflag:s8] =	dma.local @!p0 [hbm:s6], $0xF7A  }
0x23: {  	s9 =	sor.u32 $0xD0000000, s2;
	s6 =	simm.s32 $0x108;
	_ =	swait.ge @!p0 [sflag:s8], $0x0  }
0x24: {  	s3 =	sadd.s32 $0x88, s3;
	s6 =	simm.s32 @!p1 $0x1082;
	[sflag:s4] =	ssyncset.s32 $0xFFFFF086  }
0x25: {  	[simem:s6], [sflag:s4] =	dma.local [hbm:s3], $0xF7A  }
0x26: {  	[smem:$0x3F9F] =	sst s1;
	(tag) =	ssettag s2;
	_ =	strace s9  }
0x27: {  	s1 =	sld [smem:$0x3FAF]  }
0x28: {  	s2 =	sld [smem:$0x3FB0]  }
0x29: {  	s4 =	sld [smem:$0x3FB2]  }
0x2a: {  	p0 =	seq.s32 s5, $0x0;
	s5 =	sld [smem:$0x3FB3]  }
0x2b: {  	s6 =	sld [smem:$0x3FB4]  }
0x2c: {  	s7 =	sld [smem:$0x3FB5]  }
0x2d: {  	s3 =	simm.s32 $0x108;
	s8 =	sld [smem:$0x3FB6]  }
0x2e: {  	s3 =	simm.s32 @!p0 $0x1082;
	s9 =	sld [smem:$0x3FB7]  }
0x2f: {  	lr =	sadd.s32 s0, s3;
	s0 =	sld [smem:$0x3FAE]  }
0x30: {  	s3 =	sld [smem:$0x3FB1]  }
0x31: {  	[smem:$0x3FBA] =	sst s10  }
0x32: {  	s10 =	sld [smem:$0x3FB8];
	_ =	sdelay $0x3  }
0x33: {  	p0 =	seq.s32 s10, $0x1;
	s10 =	sld [smem:$0x3FBA];
	_ =	sdelay $0x3  }
0x34: {  	[smem:$0x3FBA] =	sst s10  }
0x35: {  	s10 =	sld [smem:$0x3FB9];
	_ =	sdelay $0x3  }
0x36: {  	p1 =	seq.s32 s10, $0x1;
	s10 =	sld [smem:$0x3FBA];
	_ =	sdelay $0x3  }
0x37: {  	[smem:$0x3FBA] =	sst s10  }
0x38: {  	s10 =	sld [smem:$0x3FBB]  }
0x39: {  	_ = 	snop;
	(pc) =	sbr.ind lr, $3  }
0x3a: {  	_ = 	snop  }
0x3b: {  	_ = 	snop  }
0x3c: {  	p2 =	seq.s32 s10, $0x1;
	s10 =	sld [smem:$0x3FBA]  }
0x3d: {  	_ =	shalt  }
0x3e: {  	_ =	shalt  }
0x3f: {  	_ =	shalt  }
0x40: {  	_ =	shalt  }
0x41: {  	_ =	shalt  }
0x42: {  	_ =	shalt  }
0x43: {  	_ =	shalt  }
0x44: {  	_ =	shalt  }
0x45: {  	_ =	shalt  }
0x46: {  	_ =	shalt  }
0x47: {  	_ =	shalt  }
0x48: {  	_ =	shalt  }
0x49: {  	_ =	shalt  }
0x4a: {  	_ =	shalt  }
0x4b: {  	_ =	shalt  }
0x4c: {  	_ =	shalt  }
0x4d: {  	_ =	shalt  }
0x4e: {  	_ =	shalt  }
0x4f: {  	_ =	shalt  }
0x50: {  	_ =	shalt  }
0x51: {  	_ =	shalt  }
0x52: {  	_ =	shalt  }
0x53: {  	_ =	shalt  }
0x54: {  	_ =	shalt  }
0x55: {  	_ =	shalt  }
0x56: {  	_ =	shalt  }
0x57: {  	_ =	shalt  }
0x58: {  	_ =	shalt  }
0x59: {  	_ =	shalt  }
0x5a: {  	_ =	shalt  }
0x5b: {  	_ =	shalt  }
0x5c: {  	_ =	shalt  }
0x5d: {  	_ =	shalt  }
0x5e: {  	_ =	shalt  }
0x5f: {  	_ =	shalt  }
0x60: {  	_ =	shalt  }
0x61: {  	_ =	shalt  }
0x62: {  	_ =	shalt  }
0x63: {  	_ =	shalt  }
0x64: {  	_ =	shalt  }
0x65: {  	_ =	shalt  }
0x66: {  	_ =	shalt  }
0x67: {  	_ =	shalt  }
0x68: {  	_ =	shalt  }
0x69: {  	_ =	shalt  }
0x6a: {  	_ =	shalt  }
0x6b: {  	_ =	shalt  }
0x6c: {  	_ =	shalt  }
0x6d: {  	_ =	shalt  }
0x6e: {  	_ =	shalt  }
0x6f: {  	_ =	shalt  }
0x70: {  	_ =	shalt  }
0x71: {  	_ =	shalt  }
0x72: {  	_ =	shalt  }
0x73: {  	_ =	shalt  }
0x74: {  	_ =	shalt  }
0x75: {  	_ =	shalt  }
0x76: {  	_ =	shalt  }
0x77: {  	_ =	shalt  }
0x78: {  	_ =	shalt  }
0x79: {  	_ =	shalt  }
0x7a: {  	_ =	shalt  }
0x7b: {  	_ =	shalt  }
0x7c: {  	_ =	shalt  }
0x7d: {  	_ =	shalt  }
0x7e: {  	_ =	shalt  }
0x7f: {  	_ =	shalt  }
0x80: {  	_ =	shalt  }
0x81: {  	_ =	shalt  }
0x82: {  	_ =	shalt  }
0x83: {  	_ =	shalt  }
0x84: {  	_ =	shalt  }
0x85: {  	_ =	shalt  }
0x86: {  	_ =	shalt  }
0x87: {  	_ =	shalt  }
.Lfunc_end0:
.L_simem_size_0:
called_computation_lowered:
.L_overlay_start_0:
0x88: {  	s2 =	sld [smem:$0x3FD9]  }
0x89: {  	s3 =	sld [smem:$0x3FFE];
	_ =	sdelay $0x1  }
0x8a: {  	s1 =	srdreg.scid  }
0x8b: {  	s0 =	sand.u32 $0x1, s1  }
0x8c: {  	s17 =	sshll.u32 s0, $0xA;
	s2 =	sadd.s32 s3, s2  }
0x8d: {  	s2 =	sadd.s32 s2, s17  }
0x8e: {  	[smem:$0x3FC6] =	sst s2  }
0x8f: {  	_ = 	snop  }
0x90: {  	s2 =	sld [smem:$0x3FC8];
	(tm) =	ssettm $0x1  }
0x91: {  	s18 =	sld [smem:$0x3FFB];
	_ =	sdelay $0x3  }
0x92: {  	_ =	strace s18  }
0x93: {  	s3 =	sld [smem:$0x3FFC];
	_ =	sdelay $0x3  }
0x94: {  	_ =	strace s3  }
0x95: {  	s3 =	sld [smem:$0x3FFD];
	_ =	sdelay $0x3  }
0x96: {  	_ =	strace s3  }
0x97: {  	_ =	strace $0x8FFFFFFF  }
0x98: {  	s19 =	sld [smem:$0x3FDB];
	_ =	sdelay $0x1  }
0x99: {  	s4 =	simm.s32 $_scs_section_size  }
0x9a: {  	s5 =	simm.s32 $_size__tile_overlayer_lowered;
	s6 =	simm.s32 $_tile_overlayer_lowered  }
0x9b: {  	s22 =	simm.s32 $0x1BFF;
	s21 =	sshll.u32 s6, $0x1;
	s3 =	sadd.s32 s4, s19  }
0x9c: {  	s7 =	simm.s32 $0x0;
	s20 =	sshll.u32 s5, $0x1;
	s5 =	sadd.s32 s21, s3  }
0x9d: {  	[timem:s7], [sflag:s22] =	dma.local [hbm:s5], s20  }
0x9e: {  	_ =	swait.ge [sflag:s22], s20  }
0x9f: {  	s4 =	ssub.s32 $0x0, s20;
	[sflag:s22] =	ssyncset.done $0x0  }
0xa0: {  	[sflag:s22] =	ssyncadd.s32 s4;
	_ =	sdelay $0x1  }
0xa1: {  	s23 =	simm.s32 $0x1B8B  }
0xa2: {  	_ =	swait.ge [sflag:s23], $0x1  }
0xa3: {  	[sflag:s23] =	ssyncset.done $0x0  }
0xa4: {  	s25 =	simm.s32 $0x1B8E;
	s24 =	sld [smem:$0x3FFE];
	[sflag:s23] =	ssyncadd.s32 $0xFFFFFFFF  }
0xa5: {  	s26 =	simm.s32 $execute0_lowered;
	[smem:$0x3FD2] =	sst s25  }
0xa6: {  	s5 =	sshll.u32 s26, $0x1;
	_ =	strace $0x80000046;
	[dreg:$0x1] =	wrdreg $0xFFFFFFFF  }
0xa7: {  	s28 =	simm.s32 $_size_execute0_lowered;
	s3 =	sadd.s32 s3, s5;
	[dreg:$0x0] =	wrdreg $0x0  }
0xa8: {  	s5 =	sshll.u32 s28, $0x1;
	[dreg:$0x2] =	wrdreg s3  }
0xa9: {  	[dreg:$0x3] =	wrdreg s5  }
0xaa: {  	[dreg:$0x4] =	wrdreg $0xC0  }
0xab: {  	_ =	task [dreg:s7], $0x5FFFF  }
0xac: {  	[dreg:$0x1] =	wrdreg $0xFFFFFFFF  }
0xad: {  	[dreg:$0x0] =	wrdreg $0x60  }
0xae: {  	[dreg:$0x2] =	wrdreg s24  }
0xaf: {  	[dreg:$0x3] =	wrdreg s2  }
0xb0: {  	[dreg:$0x4] =	wrdreg $0x9  }
0xb1: {  	_ =	task.clear_ibuf [dreg:s7], $0x5FFFF;
	_ =	strace $0x90000046  }
0xb2: {  	s29 =	simm.s32 $0x9;
	_ =	strace $0x80000048  }
0xb3: {  	_ =	swait.ge [sflag:s29], $0x1  }
0xb4: {  	[sflag:s29] =	ssyncadd.s32 $0xFFFFFFFF  }
0xb5: {  	_ =	strace $0x90000048  }
0xb6: {  	_ =	sfence  }
0xb7: {  	s30 =	sld [smem:$0x0];
	_ =	sdelay $0x2  }
0xb8: {  	s31 =	sshll.u32 s1, $0xD;
	s1 =	sshrl.u32 s1, $0x2  }
0xb9: {  	s3 =	sand.u32 $0x4000, s31;
	s1 =	sadd.s32 s1, s30  }
0xba: {  	s0 =	sor.u32 s3, s0;
	s1 =	sshll.u32 s1, $0x11  }
0xbb: {  	s0 =	sor.u32 s1, s0  }
0xbc: {  	s0 =	sadd.s32 $0x8F2B, s0  }
0xbd: {  	[sflag:s0] =	ssyncadd.remote.s32 $0x1  }
0xbe: {  	_ =	sfence.sel $0xFFFF  }
0xbf: {  	[dreg:$0x0] =	wrdreg $0xFFFFFFFF;
	(pc) =	sbr.abs _section_cstart, $3  }
0xc0: {  	[dreg:$0x1] =	wrdreg $0xFFFFFFFF  }
0xc1: {  	_ =	task.clear_ibuf [dreg:s7], $0x2FFFF;
	_ =	strace $0x9FFFFFFF  }
0xc2: {  	(tm) =	ssettm $0x7FFFFFFF  }
0xc3: {  	_ =	shalt  }
tec
execute0_lowered:
.L_overlay_start_1:
0x0: {  	(tag) =	ssettag $0x1  }
0x1: {  	v0 =	vimm.s32 $0x2380;
	vm0 =	vcmask $0x300;
	v1 =	vimm.s32 $0x6380  }
0x2: {  	vm1 =	vcmask $0x704;
	v0 =	vsel vm0, $0x0, v0;
	v1 =	vsel vm0, $0x4000, v1  }
0x3: {  	s3 =	rddreg [dreg:$0x0];
	vm15 =	vcmask $0xB08;
	v0 =	vsel vm1, $0x80, v0;
	v1 =	vsel vm1, $0x4080, v1  }
0x4: {  	s1 =	srdreg.scid;
	s0 =	stileid.u32;
	vm4 =	vcmask $0xF0C;
	v0 =	vsel vm15, $0x100, v0;
	v1 =	vsel vm15, $0x4100, v1  }
0x5: {  	s4 =	rddreg [dreg:$0x1];
	s2 =	simm.s32 $0x0;
	vm5 =	vcmask $0x1310;
	s13 =	simm.s32 $0x100;
	v0 =	vsel vm4, $0x180, v0;
	v1 =	vsel vm4, $0x4180, v1  }
0x6: {  	vm6 =	vcmask $0x1714;
	s14 =	simm.s32 $0x8100;
	s15 =	simm.s32 $0x1;
	s16 =	simm.s32 $0x2;
	v0 =	vsel vm5, $0x200, v0;
	v1 =	vsel vm5, $0x4200, v1  }
0x7: {  	vm7 =	vcmask $0x1B18;
	s5 =	sand.u32 $0x1, s1;
	s6 =	sshll.u32 s0, $0x1;
	s1 =	rddreg [dreg:$0x2];
	v0 =	vsel vm6, $0x280, v0;
	v1 =	vsel vm6, $0x4280, v1  }
0x8: {  	vm8 =	vcmask $0x1F1C;
	s17 =	simm.s32 $0x10100;
	[smem:$0x7FF] =	sst s2;
	s6 =	sor.u32 s5, s6;
	v0 =	vsel vm7, $0x300, v0;
	v1 =	vsel vm7, $0x4300, v1  }
0x9: {  	vm9 =	vcmask $0x2320;
	s9 =	sadd.s32 $0x600, s3;
	s5 =	ssub.s32 $0x2, s5;
	s7 =	smul.u32 $0xC0, s6;
	v0 =	vsel vm8, $0x380, v0;
	v1 =	vsel vm8, $0x4380, v1  }
0xa: {  	vm10 =	vcmask $0x2724;
	_ =	strace $0x80000047;
	s6 =	smul.u32 $0x30000, s6;
	s28 =	sshrl.u32 s5, $0x1;
	v0 =	vsel vm9, $0x2000, v0;
	v1 =	vsel vm9, $0x6000, v1  }
0xb: {  	vm11 =	vcmask $0x2B28;
	s11 =	ssub.s32 s5, s28;
	s8 =	sshrl.u32 s7, $0x3;
	s29 =	sadd.s32 $0x2800, s7;
	v0 =	vsel vm10, $0x2080, v0;
	v1 =	vsel vm10, $0x6080, v1  }
0xc: {  	vm12 =	vcmask $0x2F2C;
	s30 =	sshrl.u32 s6, $0x3;
	s11 =	smax.u32 s11, $0x1;
	s10 =	sadd.s32 s8, s3;
	v0 =	vsel vm11, $0x2100, v0;
	v1 =	vsel vm11, $0x6100, v1  }
0xd: {  	vm13 =	vcmask $0x3330;
	s31 =	sshrl.u32 s29, $0x3;
	s7 =	sshll.u32 s29, $0x7;
	s12 =	sadd.s32 s9, s30;
	v0 =	vsel vm12, $0x2180, v0;
	v1 =	vsel vm12, $0x6180, v1  }
0xe: {  	vm14 =	vcmask $0x3734;
	s3 =	sadd.s32 s4, s31;
	s4 =	sadd.s32 s9, s7;
	s5 =	sadd.s32 $0x141000, s12;
	v0 =	vsel vm13, $0x2200, v0;
	v1 =	vsel vm13, $0x6200, v1  }
0xf: {  	vm15 =	vcmask $0x3B38;
	s6 =	sadd.s32 $0x142000, s12;
	s7 =	sadd.s32 $0x143000, s12;
	s8 =	sadd.s32 $0x144000, s12;
	v0 =	vsel vm14, $0x2280, v0;
	v1 =	vsel vm14, $0x6280, v1  }
0x10: {  	s9 =	sadd.s32 $0x145000, s12;
	s10 =	sadd.s32 $0x200600, s10;
	s12 =	simm.s32 $0x3;
	v0 =	vsel vm15, $0x2300, v0;
	v1 =	vsel vm15, $0x6300, v1  }
.LBB2_1:
0x11: {  	[tilespmem:s2], [sflag:$0x3] =	stream.linear.gather [hbm4b:s3+s2], $0xC0, $0x38;
	[tilespmem:$0x10200] =	vst v63  }
0x12: {  	_ =	swait.ge [sflag:s12], $0xC0  }
0x13: {  	[sflag:s12] =	ssyncset.done $0x0  }
0x14: {  	[sflag:s12] =	ssyncadd.s32 $0xFFFFFF40  }
0x15: {  	[tilespmem:s13], [sflag:$0x1] =	stream.linear.gather [hbm4b:s4+s2], $0x8000, $0x38;
	[tilespmem:$0x10200] =	vst v63  }
0x16: {  	_ = 	snop  }
0x17: {  	[tilespmem:s14], [sflag:$0x2] =	stream.linear.gather [hbm4b:s5+s2], $0x8000, $0x38;
	[tilespmem:$0x10200] =	vst v63  }
0x18: {  	_ =	swait.ge [sflag:s15], $0x8000  }
0x19: {  	[sflag:s15] =	ssyncset.done $0x0  }
0x1a: {  	[sflag:s15] =	ssyncadd.s32 $0xFFFF8000  }
0x1b: {  	v2 =	vld [tilespmem:$0x0];
	_ =	sdelay $0x4  }
0x1c: {  	v3 =	vshll.u32 v2, $0x3  }
0x1d: {  	v4 =	vld [tilespmem:$0x10];
	v2 =	vand.u32 $0x7F, v2;
	v3 =	vand.u32 $0xFFFFFC00, v3  }
0x1e: {  	v2 =	vor.u32 v2, v3  }
0x1f: {  	v2 =	vadd.s32 v0, v2;
	_ =	sdelay $0x2  }
0x20: {  	v3 =	vshll.u32 v4, $0x3  }
0x21: {  	v4 =	vand.u32 $0x7F, v4;
	v3 =	vand.u32 $0xFFFFFC00, v3  }
0x22: {  	v3 =	vor.u32 v4, v3;
	v2 =	vld.idx.msk [tilespmem:v2+s13+$0x0], $0xffff  }
0x23: {  	v3 =	vadd.s32 v1, v3;
	_ =	sdelay $0x3  }
0x24: {  	[tilespmem:$0x10100] =	vst v2  }
0x25: {  	v2 =	vld.idx.msk [tilespmem:v3+s13+$0x0], $0xffff;
	_ =	sdelay $0x4  }
0x26: {  	[tilespmem:$0x10110] =	vst v2  }
0x27: {  	[tilespmem:s13], [sflag:$0x1] =	stream.linear.gather [hbm4b:s6+s2], $0x8000, $0x38;
	[tilespmem:$0x10200] =	vst v63  }
0x28: {  	_ =	swait.ge [sflag:s16], $0x8000  }
0x29: {  	[sflag:s16] =	ssyncset.done $0x0  }
0x2a: {  	[sflag:s16] =	ssyncadd.s32 $0xFFFF8000  }
0x2b: {  	v2 =	vld [tilespmem:$0x20];
	_ =	sdelay $0x4  }
0x2c: {  	v3 =	vshll.u32 v2, $0x3  }
0x2d: {  	v59 =	vld [tilespmem:$0x30];
	v2 =	vand.u32 $0x7F, v2;
	v3 =	vand.u32 $0xFFFFFC00, v3  }
0x2e: {  	v2 =	vor.u32 v2, v3  }
0x2f: {  	v2 =	vadd.s32 v0, v2;
	_ =	sdelay $0x2  }
0x30: {  	v3 =	vshll.u32 v59, $0x3  }
0x31: {  	v4 =	vand.u32 $0x7F, v59;
	v3 =	vand.u32 $0xFFFFFC00, v3  }
0x32: {  	v3 =	vor.u32 v4, v3;
	v2 =	vld.idx.msk [tilespmem:v2+s14+$0x0], $0xffff  }
0x33: {  	v3 =	vadd.s32 v1, v3;
	_ =	sdelay $0x3  }
0x34: {  	[tilespmem:$0x10120] =	vst v2  }
0x35: {  	v2 =	vld.idx.msk [tilespmem:v3+s14+$0x0], $0xffff;
	_ =	sdelay $0x4  }
0x36: {  	[tilespmem:$0x10130] =	vst v2  }
0x37: {  	[tilespmem:s14], [sflag:$0x2] =	stream.linear.gather [hbm4b:s7+s2], $0x8000, $0x38;
	[tilespmem:$0x10200] =	vst v63  }
0x38: {  	_ =	swait.ge [sflag:s15], $0x8000  }
0x39: {  	[sflag:s15] =	ssyncset.done $0x0  }
0x3a: {  	[sflag:s15] =	ssyncadd.s32 $0xFFFF8000  }
0x3b: {  	v2 =	vld [tilespmem:$0x40];
	_ =	sdelay $0x4  }
0x3c: {  	v3 =	vshll.u32 v2, $0x3  }
0x3d: {  	v60 =	vld [tilespmem:$0x50];
	v2 =	vand.u32 $0x7F, v2;
	v3 =	vand.u32 $0xFFFFFC00, v3  }
0x3e: {  	v2 =	vor.u32 v2, v3  }
0x3f: {  	v2 =	vadd.s32 v0, v2;
	_ =	sdelay $0x2  }
0x40: {  	v3 =	vshll.u32 v60, $0x3  }
0x41: {  	v4 =	vand.u32 $0x7F, v60;
	v3 =	vand.u32 $0xFFFFFC00, v3  }
0x42: {  	v3 =	vor.u32 v4, v3;
	v2 =	vld.idx.msk [tilespmem:v2+s13+$0x0], $0xffff  }
0x43: {  	v3 =	vadd.s32 v1, v3;
	_ =	sdelay $0x3  }
0x44: {  	[tilespmem:$0x10140] =	vst v2  }
0x45: {  	v2 =	vld.idx.msk [tilespmem:v3+s13+$0x0], $0xffff;
	_ =	sdelay $0x4  }
0x46: {  	[tilespmem:$0x10150] =	vst v2  }
0x47: {  	[tilespmem:s13], [sflag:$0x1] =	stream.linear.gather [hbm4b:s8+s2], $0x8000, $0x38;
	[tilespmem:$0x10200] =	vst v63  }
0x48: {  	_ =	swait.ge [sflag:s16], $0x8000  }
0x49: {  	[sflag:s16] =	ssyncset.done $0x0  }
0x4a: {  	[sflag:s16] =	ssyncadd.s32 $0xFFFF8000  }
0x4b: {  	v2 =	vld [tilespmem:$0x60];
	_ =	sdelay $0x4  }
0x4c: {  	v3 =	vshll.u32 v2, $0x3  }
0x4d: {  	v61 =	vld [tilespmem:$0x70];
	v2 =	vand.u32 $0x7F, v2;
	v3 =	vand.u32 $0xFFFFFC00, v3  }
0x4e: {  	v2 =	vor.u32 v2, v3  }
0x4f: {  	v2 =	vadd.s32 v0, v2;
	_ =	sdelay $0x2  }
0x50: {  	v3 =	vshll.u32 v61, $0x3  }
0x51: {  	v4 =	vand.u32 $0x7F, v61;
	v3 =	vand.u32 $0xFFFFFC00, v3  }
0x52: {  	v3 =	vor.u32 v4, v3;
	v2 =	vld.idx.msk [tilespmem:v2+s14+$0x0], $0xffff  }
0x53: {  	v3 =	vadd.s32 v1, v3;
	_ =	sdelay $0x3  }
0x54: {  	[tilespmem:$0x10160] =	vst v2  }
0x55: {  	v2 =	vld.idx.msk [tilespmem:v3+s14+$0x0], $0xffff;
	_ =	sdelay $0x4  }
0x56: {  	[tilespmem:$0x10170] =	vst v2  }
0x57: {  	[tilespmem:s14], [sflag:$0x2] =	stream.linear.gather [hbm4b:s9+s2], $0x8000, $0x38;
	[tilespmem:$0x10200] =	vst v63  }
0x58: {  	_ =	swait.ge [sflag:s15], $0x8000  }
0x59: {  	[sflag:s15] =	ssyncset.done $0x0  }
0x5a: {  	[sflag:s15] =	ssyncadd.s32 $0xFFFF8000  }
0x5b: {  	v2 =	vld [tilespmem:$0x80];
	_ =	sdelay $0x4  }
0x5c: {  	v3 =	vshll.u32 v2, $0x3  }
0x5d: {  	v62 =	vld [tilespmem:$0x90];
	v2 =	vand.u32 $0x7F, v2;
	v3 =	vand.u32 $0xFFFFFC00, v3  }
0x5e: {  	v2 =	vor.u32 v2, v3  }
0x5f: {  	v2 =	vadd.s32 v0, v2;
	_ =	sdelay $0x2  }
0x60: {  	v3 =	vshll.u32 v62, $0x3  }
0x61: {  	v4 =	vand.u32 $0x7F, v62;
	v3 =	vand.u32 $0xFFFFFC00, v3  }
0x62: {  	v3 =	vor.u32 v4, v3;
	v2 =	vld.idx.msk [tilespmem:v2+s13+$0x0], $0xffff  }
0x63: {  	v3 =	vadd.s32 v1, v3;
	_ =	sdelay $0x3  }
0x64: {  	[tilespmem:$0x10180] =	vst v2  }
0x65: {  	v2 =	vld.idx.msk [tilespmem:v3+s13+$0x0], $0xffff;
	_ =	sdelay $0x4  }
0x66: {  	[tilespmem:$0x10190] =	vst v2  }
0x67: {  	_ =	swait.ge [sflag:s16], $0x8000  }
0x68: {  	[sflag:s16] =	ssyncset.done $0x0  }
0x69: {  	[sflag:s16] =	ssyncadd.s32 $0xFFFF8000  }
0x6a: {  	v2 =	vld [tilespmem:$0xA0];
	_ =	sdelay $0x4  }
0x6b: {  	v3 =	vshll.u32 v2, $0x3  }
0x6c: {  	v63 =	vld [tilespmem:$0xB0];
	v2 =	vand.u32 $0x7F, v2;
	v3 =	vand.u32 $0xFFFFFC00, v3  }
0x6d: {  	v2 =	vor.u32 v2, v3  }
0x6e: {  	v2 =	vadd.s32 v0, v2;
	_ =	sdelay $0x2  }
0x6f: {  	v3 =	vshll.u32 v63, $0x3  }
0x70: {  	v4 =	vand.u32 $0x7F, v63;
	v3 =	vand.u32 $0xFFFFFC00, v3  }
0x71: {  	v3 =	vor.u32 v4, v3;
	v2 =	vld.idx.msk [tilespmem:v2+s14+$0x0], $0xffff  }
0x72: {  	v3 =	vadd.s32 v1, v3;
	_ =	sdelay $0x3  }
0x73: {  	[tilespmem:$0x101A0] =	vst v2  }
0x74: {  	v2 =	vld.idx.msk [tilespmem:v3+s14+$0x0], $0xffff;
	_ =	sdelay $0x3  }
0x75: {  	p0 =	sne.s32 s11, $0x1  }
.Ltmp0:
0x76: {  	[tilespmem:$0x101B0] =	vst v2;
	(pc) =	sbr.rel @p0 .LBB2_1-.Ltmp0, $4  }
0x77: {  	[hbm4b:s10+s2] =	stream.linear.scatter [tilespmem:s17], [sflag:$0x3], $0xC0, $0x38;
	[tilespmem:$0x10200] =	vst v63  }
0x78: {  	_ =	swait.ge [sflag:s12], $0xC0  }
0x79: {  	[sflag:s12] =	ssyncset.done $0x0  }
0x7a: {  	s11 =	sadd.s32 $0xFFFFFFFF, s11;
	[sflag:s12] =	ssyncadd.s32 $0xFFFFFF40  }
0x7b: {  	_ =	sfence.sel $0x180000  }
0x7c: {  	[bflag:$0x0] =	sbarrier.arrive $0xFFFF  }
0x7d: {  	p0 =	sne.s32 s0, $0x0;
	_ =	strace $0x90000047  }
0x7e: {  	s0 =	sadd.s32 @!p0 $0x100000, s1;
	[bflag:$0x2] =	sbarrier.arrive $0xFFFF  }
0x7f: {  	[sflag:s0] =	ssyncadd.tile.s32 @!p0 $0x1;
	_ =	shalt  }
.Lfunc_end2:
_tile_overlayer_lowered:
.L_overlay_start_2:
0x80: {  	(tag) =	ssettag $0x2  }
0x81: {  	s0 =	rddreg [dreg:$0x0];
	s2 =	stileid.u32  }
0x82: {  	s1 =	rddreg [dreg:$0x1];
	p0 =	sne.s32 s2, $0x0  }
0x83: {  	s3 =	rddreg [dreg:$0x2];
	[bflag:$0x3] =	sbarrier.arrive $0xFFFF;
	s2 =	simm.s32 @!p0 $0x1C03  }
0x84: {  	[timem:s3], [sflag:s2] =	dma.local @!p0 [hbm:s0], s1  }
0x85: {  	s0 =	simm.s32 @!p0 $0x3  }
0x86: {  	_ =	swait.ge @!p0 [sflag:s0], s1  }
0x87: {  	s1 =	ssub.s32 @!p0 $0x0, s1;
	[sflag:s0] =	ssyncset.done @!p0 $0x0  }
0x88: {  	[sflag:s0] =	ssyncadd.s32 @!p0 s1  }
0x89: {  	[bflag:$0x3] =	sbarrier.arrive $0xFFFF  }
0x8a: {  	_ =	shalt  }

</sc_bundles>
